<compile_context>
chip_gen: v7x
topology: tpu7x:2x2x1
jax: 0.10.2.dev20260603
libtpu: 0.0.44.dev20260713+nightly
codegen_flags: <defaults>
</compile_context>

<pallas_src>
import functools

import jax
import jax.numpy as jnp
from jax import lax
from jax.experimental import pallas as pl
from jax.experimental.pallas import tpu as pltpu
from jax.experimental.pallas import tpu_sc as plsc

D = 128
CHUNK = 128
NBUF = 4
NC = 2
NS = 16


@functools.cache
def _make_emb(n_rows, vocab):
    n_chunks = n_rows // CHUNK
    nw = NC * NS
    ch_per_w = n_chunks // nw
    n_outer = ch_per_w // NBUF
    assert n_chunks % nw == 0 and ch_per_w % NBUF == 0

    mesh = plsc.VectorSubcoreMesh(core_axis_name="c", subcore_axis_name="s")

    @functools.partial(
        pl.kernel,
        out_type=jax.ShapeDtypeStruct((n_rows, D), jnp.float32),
        mesh=mesh,
        scratch_types=[
            pltpu.VMEM_SHARED((vocab, D), jnp.float32),
            pltpu.VMEM((ch_per_w, CHUNK), jnp.int32),
            *[pltpu.VMEM((CHUNK, D), jnp.float32) for _ in range(NBUF)],
            *[pltpu.SemaphoreType.DMA for _ in range(2 * NBUF)],
        ],
    )
    def emb(table_hbm, idx_hbm, out_hbm, table_s, idx_v, *rest):
        bufs = rest[:NBUF]
        gsems = rest[NBUF:2 * NBUF]
        ssems = rest[2 * NBUF:3 * NBUF]

        cid = lax.axis_index("c")
        sid = lax.axis_index("s")
        wid = sid * NC + cid
        base = wid * ch_per_w

        @pl.when(sid == 0)
        def _():
            pltpu.sync_copy(table_hbm, table_s)

        pltpu.sync_copy(idx_hbm.at[pl.ds(base, ch_per_w)], idx_v)
        plsc.subcore_barrier()

        def gather(b, lc):
            return pltpu.make_async_copy(
                table_s.at[idx_v.at[lc]], bufs[b], gsems[b])

        def scatter(b, lc):
            row0 = pl.multiple_of((base + lc) * CHUNK, CHUNK)
            return pltpu.make_async_copy(
                bufs[b], out_hbm.at[pl.ds(row0, CHUNK)], ssems[b])

        for b in range(NBUF):
            gather(b, b).start()

        def body(t, carry):
            for b in range(NBUF):
                lc = t * NBUF + b
                gather(b, lc).wait()
                gather(b, lc + NBUF).start()
            return carry

        lax.fori_loop(0, n_outer - 1, body, 0)

        for b in range(NBUF):
            gather(b, (n_outer - 1) * NBUF + b).wait()

    return emb


def kernel(table, expression_values):
    b, g = expression_values.shape
    d = table.shape[1]
    n = b * g
    idx2 = expression_values.reshape(n // CHUNK, CHUNK)
    out = _make_emb(n, table.shape[0])(table, idx2)
    return out.reshape(b, g, d)

# --- scband reference (transcript-rebuilt; emitter-appended) ---
"""Pipeline reference for scband-expression-embedding-39273180955118 (READ-ONLY COPY).

The authoritative reference and input builder live on the scoring server;
editing this copy changes nothing except your own understanding.
"""

import jax, jax.numpy as jnp
import numpy as np

VOCAB = 512 + 3
EMBED_DIM = 128
PADDING_IDX = 1
BATCH = 4096
N_GENES = 200


def setup_inputs(seed: int = 0) -> dict:
    key = jax.random.key(seed)
    k1, k2 = jax.random.split(key)
    table = jax.random.normal(k1, (VOCAB, EMBED_DIM), dtype=jnp.float32) * 0.02
    # nn.Embedding with padding_idx zeroes that row at init
    table = table.at[PADDING_IDX].set(0.0)
    expression_values = jax.random.randint(k2, (BATCH, N_GENES), 0, VOCAB, dtype=jnp.int32)
    return {"table": table, "expression_values": expression_values}


def reference(table, expression_values):
    # Embedding lookup: [B, n_genes] -> [B, n_genes, embedding_dim]
    return jnp.take(table, expression_values, axis=0)

if __name__ == "__main__":
    import jax
    _d = setup_inputs()
    print(jax.jit(kernel)(*tuple(_d.values())))

</pallas_src>

<mosaic_0001>
#map = affine_map<(d0, d1) -> (0, 0)>
module attributes {stable_mosaic.version = 14 : i64} {
  func.func @emb(%arg0: i32, %arg1: i32, %arg2: memref<515x128xf32, #tpu.memory_space<hbm>>, %arg3: memref<6400x128xi32, #tpu.memory_space<hbm>>, %arg4: memref<819200x128xf32, #tpu.memory_space<hbm>>, %arg5: memref<515x128xf32, #tpu.memory_space<vmem_shared>>, %arg6: memref<200x128xi32, #tpu.memory_space<vmem>>, %arg7: memref<128x128xf32, #tpu.memory_space<vmem>>, %arg8: memref<128x128xf32, #tpu.memory_space<vmem>>, %arg9: memref<128x128xf32, #tpu.memory_space<vmem>>, %arg10: memref<128x128xf32, #tpu.memory_space<vmem>>, %arg11: memref<!tpu.dma_semaphore, #tpu.memory_space<semaphore_mem>>, %arg12: memref<!tpu.dma_semaphore, #tpu.memory_space<semaphore_mem>>, %arg13: memref<!tpu.dma_semaphore, #tpu.memory_space<semaphore_mem>>, %arg14: memref<!tpu.dma_semaphore, #tpu.memory_space<semaphore_mem>>, %arg15: memref<!tpu.dma_semaphore, #tpu.memory_space<semaphore_mem>>, %arg16: memref<!tpu.dma_semaphore, #tpu.memory_space<semaphore_mem>>, %arg17: memref<!tpu.dma_semaphore, #tpu.memory_space<semaphore_mem>>, %arg18: memref<!tpu.dma_semaphore, #tpu.memory_space<semaphore_mem>>) attributes {dimension_semantics = [#tpu.dimension_semantics<core_parallel>, #tpu.dimension_semantics<subcore_parallel>], iteration_bounds = array<i64: 2, 16>, scalar_prefetch = 0 : i64, scratch_operands = 14 : i64, tpu.core_type = #tpu.core_type<sc_vector_subcore>, window_params = [{transform_indices = #map}, {transform_indices = #map}, {transform_indices = #map}]} {
    %mul3A = arith.constant 2 : i32
    %mul3A_0 = arith.muli %arg1, %mul3A : i32
    %add3A = arith.addi %mul3A_0, %arg0 : i32
    %mul3A_1 = arith.constant 200 : i32
    %mul3A_2 = arith.muli %add3A, %mul3A_1 : i32
    %eq3A = arith.constant 0 : i32
    %eq3A_3 = arith.cmpi eq, %arg1, %eq3A : i32
    %convert_element_type3A = arith.extui %eq3A_3 : i1 to i32
    %cond3A = arith.constant 0 : i32
    %cond3A_4 = arith.cmpi ne, %convert_element_type3A, %cond3A : i32
    scf.if %cond3A_4 {
      "tpu.region"() ({
        %run_scoped3A = tpu.sem_alloc : memref<!tpu.dma_semaphore, #tpu.memory_space<semaphore_mem>>
        tpu.enqueue_dma source(%arg2 : memref<515x128xf32, #tpu.memory_space<hbm>>) target(%arg5 : memref<515x128xf32, #tpu.memory_space<vmem_shared>>) target_semaphore(%run_scoped3A : memref<!tpu.dma_semaphore, #tpu.memory_space<semaphore_mem>>)
        tpu.wait_dma2 semaphore(%run_scoped3A : memref<!tpu.dma_semaphore, #tpu.memory_space<semaphore_mem>>) src(%arg2 : memref<515x128xf32, #tpu.memory_space<hbm>>) dst(%arg5 : memref<515x128xf32, #tpu.memory_space<vmem_shared>>)
        tpu.yield
      }) : () -> ()
    } else {
    }
    "tpu.region"() ({
      %run_scoped3A = tpu.sem_alloc : memref<!tpu.dma_semaphore, #tpu.memory_space<semaphore_mem>>
      %dma_start3A_64 = arith.constant 0 : i32
      %dma_start3A_65 = tpu.memref_slice %arg3[%mul3A_2, %dma_start3A_64] : memref<6400x128xi32, #tpu.memory_space<hbm>> -> memref<200x128xi32, #tpu.memory_space<hbm>>
      %dma_start3A_66 = arith.constant 0 : i32
      %dma_start3A_67 = tpu.memref_slice %arg3[%mul3A_2, %dma_start3A_66] : memref<6400x128xi32, #tpu.memory_space<hbm>> -> memref<200x128xi32, #tpu.memory_space<hbm>>
      tpu.enqueue_dma source(%dma_start3A_67 : memref<200x128xi32, #tpu.memory_space<hbm>>) target(%arg6 : memref<200x128xi32, #tpu.memory_space<vmem>>) target_semaphore(%run_scoped3A : memref<!tpu.dma_semaphore, #tpu.memory_space<semaphore_mem>>)
      %dma_wait3A_68 = arith.constant 0 : i32
      %dma_wait3A_69 = tpu.memref_slice %arg3[%mul3A_2, %dma_wait3A_68] : memref<6400x128xi32, #tpu.memory_space<hbm>> -> memref<200x128xi32, #tpu.memory_space<hbm>>
      %dma_wait3A_70 = arith.constant 0 : i32
      %dma_wait3A_71 = tpu.memref_slice %arg3[%mul3A_2, %dma_wait3A_70] : memref<6400x128xi32, #tpu.memory_space<hbm>> -> memref<200x128xi32, #tpu.memory_space<hbm>>
      tpu.wait_dma2 semaphore(%run_scoped3A : memref<!tpu.dma_semaphore, #tpu.memory_space<semaphore_mem>>) src(%dma_wait3A_71 : memref<200x128xi32, #tpu.memory_space<hbm>>) dst(%arg6 : memref<200x128xi32, #tpu.memory_space<vmem>>)
      tpu.yield
    }) : () -> ()
    %barrier3A = arith.constant 0 : index
    tpu.barrier barrier_id(%barrier3A)
    %dma_start3A = arith.constant 0 : i32
    %dma_start3A_5 = arith.constant 0 : i32
    %dma_start3A_6 = tpu.memref_slice %arg6[%dma_start3A, %dma_start3A_5] : memref<200x128xi32, #tpu.memory_space<vmem>> -> memref<1x128xi32, #tpu.memory_space<vmem>>
    %dma_start3A_7 = tpu.memref_squeeze %dma_start3A_6 : memref<1x128xi32, #tpu.memory_space<vmem>> -> memref<128xi32, #tpu.memory_space<vmem>>
    %dma_start3A_8 = arith.constant 0 : i32
    %dma_start3A_9 = arith.constant 0 : i32
    %dma_start3A_10 = tpu.memref_slice %arg5[%dma_start3A_8, %dma_start3A_9] : memref<515x128xf32, #tpu.memory_space<vmem_shared>> -> memref<515x128xf32, #tpu.memory_space<vmem_shared>>
    tpu.enqueue_indirect_dma source(%dma_start3A_10 : memref<515x128xf32, #tpu.memory_space<vmem_shared>>) target(%arg7 : memref<128x128xf32, #tpu.memory_space<vmem>>) offsets(%dma_start3A_7 : memref<128xi32, #tpu.memory_space<vmem>>) semaphore(%arg11 : memref<!tpu.dma_semaphore, #tpu.memory_space<semaphore_mem>>)
    %dma_start3A_11 = arith.constant 1 : i32
    %dma_start3A_12 = arith.constant 0 : i32
    %dma_start3A_13 = tpu.memref_slice %arg6[%dma_start3A_11, %dma_start3A_12] : memref<200x128xi32, #tpu.memory_space<vmem>> -> memref<1x128xi32, #tpu.memory_space<vmem>>
    %dma_start3A_14 = tpu.memref_squeeze %dma_start3A_13 : memref<1x128xi32, #tpu.memory_space<vmem>> -> memref<128xi32, #tpu.memory_space<vmem>>
    %dma_start3A_15 = arith.constant 0 : i32
    %dma_start3A_16 = arith.constant 0 : i32
    %dma_start3A_17 = tpu.memref_slice %arg5[%dma_start3A_15, %dma_start3A_16] : memref<515x128xf32, #tpu.memory_space<vmem_shared>> -> memref<515x128xf32, #tpu.memory_space<vmem_shared>>
    tpu.enqueue_indirect_dma source(%dma_start3A_17 : memref<515x128xf32, #tpu.memory_space<vmem_shared>>) target(%arg8 : memref<128x128xf32, #tpu.memory_space<vmem>>) offsets(%dma_start3A_14 : memref<128xi32, #tpu.memory_space<vmem>>) semaphore(%arg12 : memref<!tpu.dma_semaphore, #tpu.memory_space<semaphore_mem>>)
    %dma_start3A_18 = arith.constant 2 : i32
    %dma_start3A_19 = arith.constant 0 : i32
    %dma_start3A_20 = tpu.memref_slice %arg6[%dma_start3A_18, %dma_start3A_19] : memref<200x128xi32, #tpu.memory_space<vmem>> -> memref<1x128xi32, #tpu.memory_space<vmem>>
    %dma_start3A_21 = tpu.memref_squeeze %dma_start3A_20 : memref<1x128xi32, #tpu.memory_space<vmem>> -> memref<128xi32, #tpu.memory_space<vmem>>
    %dma_start3A_22 = arith.constant 0 : i32
    %dma_start3A_23 = arith.constant 0 : i32
    %dma_start3A_24 = tpu.memref_slice %arg5[%dma_start3A_22, %dma_start3A_23] : memref<515x128xf32, #tpu.memory_space<vmem_shared>> -> memref<515x128xf32, #tpu.memory_space<vmem_shared>>
    tpu.enqueue_indirect_dma source(%dma_start3A_24 : memref<515x128xf32, #tpu.memory_space<vmem_shared>>) target(%arg9 : memref<128x128xf32, #tpu.memory_space<vmem>>) offsets(%dma_start3A_21 : memref<128xi32, #tpu.memory_space<vmem>>) semaphore(%arg13 : memref<!tpu.dma_semaphore, #tpu.memory_space<semaphore_mem>>)
    %dma_start3A_25 = arith.constant 3 : i32
    %dma_start3A_26 = arith.constant 0 : i32
    %dma_start3A_27 = tpu.memref_slice %arg6[%dma_start3A_25, %dma_start3A_26] : memref<200x128xi32, #tpu.memory_space<vmem>> -> memref<1x128xi32, #tpu.memory_space<vmem>>
    %dma_start3A_28 = tpu.memref_squeeze %dma_start3A_27 : memref<1x128xi32, #tpu.memory_space<vmem>> -> memref<128xi32, #tpu.memory_space<vmem>>
    %dma_start3A_29 = arith.constant 0 : i32
    %dma_start3A_30 = arith.constant 0 : i32
    %dma_start3A_31 = tpu.memref_slice %arg5[%dma_start3A_29, %dma_start3A_30] : memref<515x128xf32, #tpu.memory_space<vmem_shared>> -> memref<515x128xf32, #tpu.memory_space<vmem_shared>>
    tpu.enqueue_indirect_dma source(%dma_start3A_31 : memref<515x128xf32, #tpu.memory_space<vmem_shared>>) target(%arg10 : memref<128x128xf32, #tpu.memory_space<vmem>>) offsets(%dma_start3A_28 : memref<128xi32, #tpu.memory_space<vmem>>) semaphore(%arg14 : memref<!tpu.dma_semaphore, #tpu.memory_space<semaphore_mem>>)
    %scan3A = arith.constant 0 : i32
    %scan3A_32 = arith.constant 0 : i32
    %scan3A_33 = arith.constant 49 : i32
    %scan3A_34 = arith.addi %scan3A_32, %scan3A_33 : i32
    %scan3A_35 = arith.constant 1 : i32
    scf.for %scan3A_64 = %scan3A_32 to %scan3A_34 step %scan3A_35  : i32 {
      %mul3A_65 = arith.constant 4 : i32
      %mul3A_66 = arith.muli %scan3A_64, %mul3A_65 : i32
      %add3A_67 = arith.constant 0 : i32
      %add3A_68 = arith.addi %mul3A_66, %add3A_67 : i32
      %dma_wait3A_69 = arith.constant 0 : i32
      %dma_wait3A_70 = tpu.memref_slice %arg6[%add3A_68, %dma_wait3A_69] : memref<200x128xi32, #tpu.memory_space<vmem>> -> memref<1x128xi32, #tpu.memory_space<vmem>>
      %dma_wait3A_71 = tpu.memref_squeeze %dma_wait3A_70 : memref<1x128xi32, #tpu.memory_space<vmem>> -> memref<128xi32, #tpu.memory_space<vmem>>
      %dma_wait3A_72 = arith.constant 0 : i32
      %dma_wait3A_73 = arith.constant 0 : i32
      %dma_wait3A_74 = tpu.memref_slice %arg5[%dma_wait3A_72, %dma_wait3A_73] : memref<515x128xf32, #tpu.memory_space<vmem_shared>> -> memref<515x128xf32, #tpu.memory_space<vmem_shared>>
      tpu.wait_indirect_dma semaphore(%arg11 : memref<!tpu.dma_semaphore, #tpu.memory_space<semaphore_mem>>) src(%dma_wait3A_74 : memref<515x128xf32, #tpu.memory_space<vmem_shared>>) dst(%arg7 : memref<128x128xf32, #tpu.memory_space<vmem>>)
      %add3A_75 = arith.constant 4 : i32
      %add3A_76 = arith.addi %add3A_68, %add3A_75 : i32
      %dma_start3A_77 = arith.constant 0 : i32
      %dma_start3A_78 = tpu.memref_slice %arg6[%add3A_76, %dma_start3A_77] : memref<200x128xi32, #tpu.memory_space<vmem>> -> memref<1x128xi32, #tpu.memory_space<vmem>>
      %dma_start3A_79 = tpu.memref_squeeze %dma_start3A_78 : memref<1x128xi32, #tpu.memory_space<vmem>> -> memref<128xi32, #tpu.memory_space<vmem>>
      %dma_start3A_80 = arith.constant 0 : i32
      %dma_start3A_81 = arith.constant 0 : i32
      %dma_start3A_82 = tpu.memref_slice %arg5[%dma_start3A_80, %dma_start3A_81] : memref<515x128xf32, #tpu.memory_space<vmem_shared>> -> memref<515x128xf32, #tpu.memory_space<vmem_shared>>
      tpu.enqueue_indirect_dma source(%dma_start3A_82 : memref<515x128xf32, #tpu.memory_space<vmem_shared>>) target(%arg7 : memref<128x128xf32, #tpu.memory_space<vmem>>) offsets(%dma_start3A_79 : memref<128xi32, #tpu.memory_space<vmem>>) semaphore(%arg11 : memref<!tpu.dma_semaphore, #tpu.memory_space<semaphore_mem>>)
      %mul3A_83 = arith.constant 4 : i32
      %mul3A_84 = arith.muli %scan3A_64, %mul3A_83 : i32
      %add3A_85 = arith.constant 1 : i32
      %add3A_86 = arith.addi %mul3A_84, %add3A_85 : i32
      %dma_wait3A_87 = arith.constant 0 : i32
      %dma_wait3A_88 = tpu.memref_slice %arg6[%add3A_86, %dma_wait3A_87] : memref<200x128xi32, #tpu.memory_space<vmem>> -> memref<1x128xi32, #tpu.memory_space<vmem>>
      %dma_wait3A_89 = tpu.memref_squeeze %dma_wait3A_88 : memref<1x128xi32, #tpu.memory_space<vmem>> -> memref<128xi32, #tpu.memory_space<vmem>>
      %dma_wait3A_90 = arith.constant 0 : i32
      %dma_wait3A_91 = arith.constant 0 : i32
      %dma_wait3A_92 = tpu.memref_slice %arg5[%dma_wait3A_90, %dma_wait3A_91] : memref<515x128xf32, #tpu.memory_space<vmem_shared>> -> memref<515x128xf32, #tpu.memory_space<vmem_shared>>
      tpu.wait_indirect_dma semaphore(%arg12 : memref<!tpu.dma_semaphore, #tpu.memory_space<semaphore_mem>>) src(%dma_wait3A_92 : memref<515x128xf32, #tpu.memory_space<vmem_shared>>) dst(%arg8 : memref<128x128xf32, #tpu.memory_space<vmem>>)
      %add3A_93 = arith.constant 4 : i32
      %add3A_94 = arith.addi %add3A_86, %add3A_93 : i32
      %dma_start3A_95 = arith.constant 0 : i32
      %dma_start3A_96 = tpu.memref_slice %arg6[%add3A_94, %dma_start3A_95] : memref<200x128xi32, #tpu.memory_space<vmem>> -> memref<1x128xi32, #tpu.memory_space<vmem>>
      %dma_start3A_97 = tpu.memref_squeeze %dma_start3A_96 : memref<1x128xi32, #tpu.memory_space<vmem>> -> memref<128xi32, #tpu.memory_space<vmem>>
      %dma_start3A_98 = arith.constant 0 : i32
      %dma_start3A_99 = arith.constant 0 : i32
      %dma_start3A_100 = tpu.memref_slice %arg5[%dma_start3A_98, %dma_start3A_99] : memref<515x128xf32, #tpu.memory_space<vmem_shared>> -> memref<515x128xf32, #tpu.memory_space<vmem_shared>>
      tpu.enqueue_indirect_dma source(%dma_start3A_100 : memref<515x128xf32, #tpu.memory_space<vmem_shared>>) target(%arg8 : memref<128x128xf32, #tpu.memory_space<vmem>>) offsets(%dma_start3A_97 : memref<128xi32, #tpu.memory_space<vmem>>) semaphore(%arg12 : memref<!tpu.dma_semaphore, #tpu.memory_space<semaphore_mem>>)
      %mul3A_101 = arith.constant 4 : i32
      %mul3A_102 = arith.muli %scan3A_64, %mul3A_101 : i32
      %add3A_103 = arith.constant 2 : i32
      %add3A_104 = arith.addi %mul3A_102, %add3A_103 : i32
      %dma_wait3A_105 = arith.constant 0 : i32
      %dma_wait3A_106 = tpu.memref_slice %arg6[%add3A_104, %dma_wait3A_105] : memref<200x128xi32, #tpu.memory_space<vmem>> -> memref<1x128xi32, #tpu.memory_space<vmem>>
      %dma_wait3A_107 = tpu.memref_squeeze %dma_wait3A_106 : memref<1x128xi32, #tpu.memory_space<vmem>> -> memref<128xi32, #tpu.memory_space<vmem>>
      %dma_wait3A_108 = arith.constant 0 : i32
      %dma_wait3A_109 = arith.constant 0 : i32
      %dma_wait3A_110 = tpu.memref_slice %arg5[%dma_wait3A_108, %dma_wait3A_109] : memref<515x128xf32, #tpu.memory_space<vmem_shared>> -> memref<515x128xf32, #tpu.memory_space<vmem_shared>>
      tpu.wait_indirect_dma semaphore(%arg13 : memref<!tpu.dma_semaphore, #tpu.memory_space<semaphore_mem>>) src(%dma_wait3A_110 : memref<515x128xf32, #tpu.memory_space<vmem_shared>>) dst(%arg9 : memref<128x128xf32, #tpu.memory_space<vmem>>)
      %add3A_111 = arith.constant 4 : i32
      %add3A_112 = arith.addi %add3A_104, %add3A_111 : i32
      %dma_start3A_113 = arith.constant 0 : i32
      %dma_start3A_114 = tpu.memref_slice %arg6[%add3A_112, %dma_start3A_113] : memref<200x128xi32, #tpu.memory_space<vmem>> -> memref<1x128xi32, #tpu.memory_space<vmem>>
      %dma_start3A_115 = tpu.memref_squeeze %dma_start3A_114 : memref<1x128xi32, #tpu.memory_space<vmem>> -> memref<128xi32, #tpu.memory_space<vmem>>
      %dma_start3A_116 = arith.constant 0 : i32
      %dma_start3A_117 = arith.constant 0 : i32
      %dma_start3A_118 = tpu.memref_slice %arg5[%dma_start3A_116, %dma_start3A_117] : memref<515x128xf32, #tpu.memory_space<vmem_shared>> -> memref<515x128xf32, #tpu.memory_space<vmem_shared>>
      tpu.enqueue_indirect_dma source(%dma_start3A_118 : memref<515x128xf32, #tpu.memory_space<vmem_shared>>) target(%arg9 : memref<128x128xf32, #tpu.memory_space<vmem>>) offsets(%dma_start3A_115 : memref<128xi32, #tpu.memory_space<vmem>>) semaphore(%arg13 : memref<!tpu.dma_semaphore, #tpu.memory_space<semaphore_mem>>)
      %mul3A_119 = arith.constant 4 : i32
      %mul3A_120 = arith.muli %scan3A_64, %mul3A_119 : i32
      %add3A_121 = arith.constant 3 : i32
      %add3A_122 = arith.addi %mul3A_120, %add3A_121 : i32
      %dma_wait3A_123 = arith.constant 0 : i32
      %dma_wait3A_124 = tpu.memref_slice %arg6[%add3A_122, %dma_wait3A_123] : memref<200x128xi32, #tpu.memory_space<vmem>> -> memref<1x128xi32, #tpu.memory_space<vmem>>
      %dma_wait3A_125 = tpu.memref_squeeze %dma_wait3A_124 : memref<1x128xi32, #tpu.memory_space<vmem>> -> memref<128xi32, #tpu.memory_space<vmem>>
      %dma_wait3A_126 = arith.constant 0 : i32
      %dma_wait3A_127 = arith.constant 0 : i32
      %dma_wait3A_128 = tpu.memref_slice %arg5[%dma_wait3A_126, %dma_wait3A_127] : memref<515x128xf32, #tpu.memory_space<vmem_shared>> -> memref<515x128xf32, #tpu.memory_space<vmem_shared>>
      tpu.wait_indirect_dma semaphore(%arg14 : memref<!tpu.dma_semaphore, #tpu.memory_space<semaphore_mem>>) src(%dma_wait3A_128 : memref<515x128xf32, #tpu.memory_space<vmem_shared>>) dst(%arg10 : memref<128x128xf32, #tpu.memory_space<vmem>>)
      %add3A_129 = arith.constant 4 : i32
      %add3A_130 = arith.addi %add3A_122, %add3A_129 : i32
      %dma_start3A_131 = arith.constant 0 : i32
      %dma_start3A_132 = tpu.memref_slice %arg6[%add3A_130, %dma_start3A_131] : memref<200x128xi32, #tpu.memory_space<vmem>> -> memref<1x128xi32, #tpu.memory_space<vmem>>
      %dma_start3A_133 = tpu.memref_squeeze %dma_start3A_132 : memref<1x128xi32, #tpu.memory_space<vmem>> -> memref<128xi32, #tpu.memory_space<vmem>>
      %dma_start3A_134 = arith.constant 0 : i32
      %dma_start3A_135 = arith.constant 0 : i32
      %dma_start3A_136 = tpu.memref_slice %arg5[%dma_start3A_134, %dma_start3A_135] : memref<515x128xf32, #tpu.memory_space<vmem_shared>> -> memref<515x128xf32, #tpu.memory_space<vmem_shared>>
      tpu.enqueue_indirect_dma source(%dma_start3A_136 : memref<515x128xf32, #tpu.memory_space<vmem_shared>>) target(%arg10 : memref<128x128xf32, #tpu.memory_space<vmem>>) offsets(%dma_start3A_133 : memref<128xi32, #tpu.memory_space<vmem>>) semaphore(%arg14 : memref<!tpu.dma_semaphore, #tpu.memory_space<semaphore_mem>>)
    }
    %scan3A_36 = arith.constant 49 : i32
    %dma_wait3A = arith.constant 196 : i32
    %dma_wait3A_37 = arith.constant 0 : i32
    %dma_wait3A_38 = tpu.memref_slice %arg6[%dma_wait3A, %dma_wait3A_37] : memref<200x128xi32, #tpu.memory_space<vmem>> -> memref<1x128xi32, #tpu.memory_space<vmem>>
    %dma_wait3A_39 = tpu.memref_squeeze %dma_wait3A_38 : memref<1x128xi32, #tpu.memory_space<vmem>> -> memref<128xi32, #tpu.memory_space<vmem>>
    %dma_wait3A_40 = arith.constant 0 : i32
    %dma_wait3A_41 = arith.constant 0 : i32
    %dma_wait3A_42 = tpu.memref_slice %arg5[%dma_wait3A_40, %dma_wait3A_41] : memref<515x128xf32, #tpu.memory_space<vmem_shared>> -> memref<515x128xf32, #tpu.memory_space<vmem_shared>>
    tpu.wait_indirect_dma semaphore(%arg11 : memref<!tpu.dma_semaphore, #tpu.memory_space<semaphore_mem>>) src(%dma_wait3A_42 : memref<515x128xf32, #tpu.memory_space<vmem_shared>>) dst(%arg7 : memref<128x128xf32, #tpu.memory_space<vmem>>)
    %dma_wait3A_43 = arith.constant 197 : i32
    %dma_wait3A_44 = arith.constant 0 : i32
    %dma_wait3A_45 = tpu.memref_slice %arg6[%dma_wait3A_43, %dma_wait3A_44] : memref<200x128xi32, #tpu.memory_space<vmem>> -> memref<1x128xi32, #tpu.memory_space<vmem>>
    %dma_wait3A_46 = tpu.memref_squeeze %dma_wait3A_45 : memref<1x128xi32, #tpu.memory_space<vmem>> -> memref<128xi32, #tpu.memory_space<vmem>>
    %dma_wait3A_47 = arith.constant 0 : i32
    %dma_wait3A_48 = arith.constant 0 : i32
    %dma_wait3A_49 = tpu.memref_slice %arg5[%dma_wait3A_47, %dma_wait3A_48] : memref<515x128xf32, #tpu.memory_space<vmem_shared>> -> memref<515x128xf32, #tpu.memory_space<vmem_shared>>
    tpu.wait_indirect_dma semaphore(%arg12 : memref<!tpu.dma_semaphore, #tpu.memory_space<semaphore_mem>>) src(%dma_wait3A_49 : memref<515x128xf32, #tpu.memory_space<vmem_shared>>) dst(%arg8 : memref<128x128xf32, #tpu.memory_space<vmem>>)
    %dma_wait3A_50 = arith.constant 198 : i32
    %dma_wait3A_51 = arith.constant 0 : i32
    %dma_wait3A_52 = tpu.memref_slice %arg6[%dma_wait3A_50, %dma_wait3A_51] : memref<200x128xi32, #tpu.memory_space<vmem>> -> memref<1x128xi32, #tpu.memory_space<vmem>>
    %dma_wait3A_53 = tpu.memref_squeeze %dma_wait3A_52 : memref<1x128xi32, #tpu.memory_space<vmem>> -> memref<128xi32, #tpu.memory_space<vmem>>
    %dma_wait3A_54 = arith.constant 0 : i32
    %dma_wait3A_55 = arith.constant 0 : i32
    %dma_wait3A_56 = tpu.memref_slice %arg5[%dma_wait3A_54, %dma_wait3A_55] : memref<515x128xf32, #tpu.memory_space<vmem_shared>> -> memref<515x128xf32, #tpu.memory_space<vmem_shared>>
    tpu.wait_indirect_dma semaphore(%arg13 : memref<!tpu.dma_semaphore, #tpu.memory_space<semaphore_mem>>) src(%dma_wait3A_56 : memref<515x128xf32, #tpu.memory_space<vmem_shared>>) dst(%arg9 : memref<128x128xf32, #tpu.memory_space<vmem>>)
    %dma_wait3A_57 = arith.constant 199 : i32
    %dma_wait3A_58 = arith.constant 0 : i32
    %dma_wait3A_59 = tpu.memref_slice %arg6[%dma_wait3A_57, %dma_wait3A_58] : memref<200x128xi32, #tpu.memory_space<vmem>> -> memref<1x128xi32, #tpu.memory_space<vmem>>
    %dma_wait3A_60 = tpu.memref_squeeze %dma_wait3A_59 : memref<1x128xi32, #tpu.memory_space<vmem>> -> memref<128xi32, #tpu.memory_space<vmem>>
    %dma_wait3A_61 = arith.constant 0 : i32
    %dma_wait3A_62 = arith.constant 0 : i32
    %dma_wait3A_63 = tpu.memref_slice %arg5[%dma_wait3A_61, %dma_wait3A_62] : memref<515x128xf32, #tpu.memory_space<vmem_shared>> -> memref<515x128xf32, #tpu.memory_space<vmem_shared>>
    tpu.wait_indirect_dma semaphore(%arg14 : memref<!tpu.dma_semaphore, #tpu.memory_space<semaphore_mem>>) src(%dma_wait3A_63 : memref<515x128xf32, #tpu.memory_space<vmem_shared>>) dst(%arg10 : memref<128x128xf32, #tpu.memory_space<vmem>>)
    return
  }
}

</mosaic_0001>

<sc_bundles>
// kernel: kernel.3.cloned.1.call-start
scs
__scs_entry_jumppad:
0x0: {  	(pc) =	sbr.rel $0x88, $3  }
0x1: {  	(tag) =	ssettag $0x0;
	lr =	simm.s32 $0x1  }
0x2: {  	[smem:$0x3F9F] =	sst lr;
	_ =	strace $0xD0000000  }
0x3: {  	_ = 	snop  }
0x4: {  	_ = 	snop  }
0x5: {  	_ = 	snop  }
0x6: {  	_ = 	snop  }
0x7: {  	_ = 	snop  }
__scs_overlays_trampoline_lowered:
0x8: {  	[smem:$0x3FAE] =	sst s0  }
0x9: {  	[smem:$0x3FAF] =	sst s1  }
0xa: {  	[smem:$0x3FB0] =	sst s2  }
0xb: {  	[smem:$0x3FB1] =	sst s3  }
0xc: {  	[smem:$0x3FB2] =	sst s4  }
0xd: {  	[smem:$0x3FB3] =	sst s5  }
0xe: {  	[smem:$0x3FB4] =	sst s6  }
0xf: {  	[smem:$0x3FB5] =	sst s7  }
0x10: {  	[smem:$0x3FB6] =	sst s8  }
0x11: {  	[smem:$0x3FB7] =	sst s9;
	s0 =	simm.s32 @!p0 $0x0  }
0x12: {  	s1 =	sld [smem:$0x3F9D];
	s0 =	simm.s32 @p0 $0x1  }
0x13: {  	[smem:$0x3FB8] =	sst s0;
	s0 =	simm.s32 @!p1 $0x0  }
0x14: {  	s2 =	sld [smem:$0x3F9C];
	s0 =	simm.s32 @p1 $0x1  }
0x15: {  	[smem:$0x3FB9] =	sst s0;
	s0 =	simm.s32 @!p2 $0x0  }
0x16: {  	s3 =	sld [smem:$0x3FDB];
	s0 =	simm.s32 @p2 $0x1  }
0x17: {  	s4 =	simm.s32 $0x1BF5;
	[smem:$0x3FBB] =	sst s0  }
0x18: {  	s0 =	sld [smem:$0x3F9E];
	_ =	swait.ge [sflag:s4], $0x0  }
0x19: {  	s7 =	sld [smem:$0x3F9F]  }
0x1a: {  	s8 =	sadd.s32 $0xFFFFE003, lr  }
0x1b: {  	s9 =	sadd.s32 $0xFFFFFEF7, lr;
	s5 =	simm.s32 $0xFFFFFFFF;
	p2 =	slt.u32 s8, $0xFFFFF086  }
0x1c: {  	p1 =	slt.u32 s9, $0xF7A;
	s5 =	simm.s32 @!p2 $0x0  }
0x1d: {  	s5 =	simm.s32 @p1 $0x1;
	p0 =	seq.s32 s7, s2  }
0x1e: {  	s7 =	smul.u32 @!p0 $0xF7A, s2;
	p2 =	seq.s32 @!p0 s5, $0x0  }
0x1f: {  	s9 =	smul.u32 $0xF7A, s1;
	s8 =	simm.s32 @!p0 $0x1BF5;
	p2 =	por !p2, p0  }
0x20: {  	[sflag:s8] =	ssyncset.s32 @!p0 $0xFFFFF086;
	s6 =	sadd.s32 @!p0 s3, s7;
	s7 =	simm.s32 @!p0 $0x108  }
0x21: {  	s3 =	sadd.s32 s3, s9;
	s6 =	sadd.s32 @!p0 $0x88, s6;
	s7 =	simm.s32 @p2 $0x1082  }
0x22: {  	[simem:s7], [sflag:s8] =	dma.local @!p0 [hbm:s6], $0xF7A  }
0x23: {  	s9 =	sor.u32 $0xD0000000, s2;
	s6 =	simm.s32 $0x108;
	_ =	swait.ge @!p0 [sflag:s8], $0x0  }
0x24: {  	s3 =	sadd.s32 $0x88, s3;
	s6 =	simm.s32 @!p1 $0x1082;
	[sflag:s4] =	ssyncset.s32 $0xFFFFF086  }
0x25: {  	[simem:s6], [sflag:s4] =	dma.local [hbm:s3], $0xF7A  }
0x26: {  	[smem:$0x3F9F] =	sst s1;
	(tag) =	ssettag s2;
	_ =	strace s9  }
0x27: {  	s1 =	sld [smem:$0x3FAF]  }
0x28: {  	s2 =	sld [smem:$0x3FB0]  }
0x29: {  	s4 =	sld [smem:$0x3FB2]  }
0x2a: {  	p0 =	seq.s32 s5, $0x0;
	s5 =	sld [smem:$0x3FB3]  }
0x2b: {  	s6 =	sld [smem:$0x3FB4]  }
0x2c: {  	s7 =	sld [smem:$0x3FB5]  }
0x2d: {  	s3 =	simm.s32 $0x108;
	s8 =	sld [smem:$0x3FB6]  }
0x2e: {  	s3 =	simm.s32 @!p0 $0x1082;
	s9 =	sld [smem:$0x3FB7]  }
0x2f: {  	lr =	sadd.s32 s0, s3;
	s0 =	sld [smem:$0x3FAE]  }
0x30: {  	s3 =	sld [smem:$0x3FB1]  }
0x31: {  	[smem:$0x3FBA] =	sst s10  }
0x32: {  	s10 =	sld [smem:$0x3FB8];
	_ =	sdelay $0x3  }
0x33: {  	p0 =	seq.s32 s10, $0x1;
	s10 =	sld [smem:$0x3FBA];
	_ =	sdelay $0x3  }
0x34: {  	[smem:$0x3FBA] =	sst s10  }
0x35: {  	s10 =	sld [smem:$0x3FB9];
	_ =	sdelay $0x3  }
0x36: {  	p1 =	seq.s32 s10, $0x1;
	s10 =	sld [smem:$0x3FBA];
	_ =	sdelay $0x3  }
0x37: {  	[smem:$0x3FBA] =	sst s10  }
0x38: {  	s10 =	sld [smem:$0x3FBB]  }
0x39: {  	_ = 	snop;
	(pc) =	sbr.ind lr, $3  }
0x3a: {  	_ = 	snop  }
0x3b: {  	_ = 	snop  }
0x3c: {  	p2 =	seq.s32 s10, $0x1;
	s10 =	sld [smem:$0x3FBA]  }
0x3d: {  	_ =	shalt  }
0x3e: {  	_ =	shalt  }
0x3f: {  	_ =	shalt  }
0x40: {  	_ =	shalt  }
0x41: {  	_ =	shalt  }
0x42: {  	_ =	shalt  }
0x43: {  	_ =	shalt  }
0x44: {  	_ =	shalt  }
0x45: {  	_ =	shalt  }
0x46: {  	_ =	shalt  }
0x47: {  	_ =	shalt  }
0x48: {  	_ =	shalt  }
0x49: {  	_ =	shalt  }
0x4a: {  	_ =	shalt  }
0x4b: {  	_ =	shalt  }
0x4c: {  	_ =	shalt  }
0x4d: {  	_ =	shalt  }
0x4e: {  	_ =	shalt  }
0x4f: {  	_ =	shalt  }
0x50: {  	_ =	shalt  }
0x51: {  	_ =	shalt  }
0x52: {  	_ =	shalt  }
0x53: {  	_ =	shalt  }
0x54: {  	_ =	shalt  }
0x55: {  	_ =	shalt  }
0x56: {  	_ =	shalt  }
0x57: {  	_ =	shalt  }
0x58: {  	_ =	shalt  }
0x59: {  	_ =	shalt  }
0x5a: {  	_ =	shalt  }
0x5b: {  	_ =	shalt  }
0x5c: {  	_ =	shalt  }
0x5d: {  	_ =	shalt  }
0x5e: {  	_ =	shalt  }
0x5f: {  	_ =	shalt  }
0x60: {  	_ =	shalt  }
0x61: {  	_ =	shalt  }
0x62: {  	_ =	shalt  }
0x63: {  	_ =	shalt  }
0x64: {  	_ =	shalt  }
0x65: {  	_ =	shalt  }
0x66: {  	_ =	shalt  }
0x67: {  	_ =	shalt  }
0x68: {  	_ =	shalt  }
0x69: {  	_ =	shalt  }
0x6a: {  	_ =	shalt  }
0x6b: {  	_ =	shalt  }
0x6c: {  	_ =	shalt  }
0x6d: {  	_ =	shalt  }
0x6e: {  	_ =	shalt  }
0x6f: {  	_ =	shalt  }
0x70: {  	_ =	shalt  }
0x71: {  	_ =	shalt  }
0x72: {  	_ =	shalt  }
0x73: {  	_ =	shalt  }
0x74: {  	_ =	shalt  }
0x75: {  	_ =	shalt  }
0x76: {  	_ =	shalt  }
0x77: {  	_ =	shalt  }
0x78: {  	_ =	shalt  }
0x79: {  	_ =	shalt  }
0x7a: {  	_ =	shalt  }
0x7b: {  	_ =	shalt  }
0x7c: {  	_ =	shalt  }
0x7d: {  	_ =	shalt  }
0x7e: {  	_ =	shalt  }
0x7f: {  	_ =	shalt  }
0x80: {  	_ =	shalt  }
0x81: {  	_ =	shalt  }
0x82: {  	_ =	shalt  }
0x83: {  	_ =	shalt  }
0x84: {  	_ =	shalt  }
0x85: {  	_ =	shalt  }
0x86: {  	_ =	shalt  }
0x87: {  	_ =	shalt  }
.Lfunc_end0:
.L_simem_size_0:
called_computation_lowered:
.L_overlay_start_0:
0x88: {  	s2 =	sld [smem:$0x3FD9]  }
0x89: {  	s3 =	sld [smem:$0x3FFE];
	_ =	sdelay $0x1  }
0x8a: {  	s1 =	srdreg.scid  }
0x8b: {  	s0 =	sand.u32 $0x1, s1  }
0x8c: {  	s17 =	sshll.u32 s0, $0xA;
	s2 =	sadd.s32 s3, s2  }
0x8d: {  	s2 =	sadd.s32 s2, s17  }
0x8e: {  	[smem:$0x3FC6] =	sst s2  }
0x8f: {  	_ = 	snop  }
0x90: {  	s2 =	sld [smem:$0x3FC9];
	(tm) =	ssettm $0x1  }
0x91: {  	s18 =	sld [smem:$0x3FFB];
	_ =	sdelay $0x3  }
0x92: {  	_ =	strace s18  }
0x93: {  	s3 =	sld [smem:$0x3FFC];
	_ =	sdelay $0x3  }
0x94: {  	_ =	strace s3  }
0x95: {  	s3 =	sld [smem:$0x3FFD];
	_ =	sdelay $0x3  }
0x96: {  	_ =	strace s3  }
0x97: {  	_ =	strace $0x8FFFFFFF  }
0x98: {  	s19 =	sld [smem:$0x3FDB];
	_ =	sdelay $0x1  }
0x99: {  	s4 =	simm.s32 $_scs_section_size  }
0x9a: {  	s5 =	simm.s32 $_size__tile_overlayer_lowered;
	s6 =	simm.s32 $_tile_overlayer_lowered  }
0x9b: {  	s22 =	simm.s32 $0x1BFF;
	s21 =	sshll.u32 s6, $0x1;
	s3 =	sadd.s32 s4, s19  }
0x9c: {  	s7 =	simm.s32 $0x0;
	s20 =	sshll.u32 s5, $0x1;
	s5 =	sadd.s32 s21, s3  }
0x9d: {  	[timem:s7], [sflag:s22] =	dma.local [hbm:s5], s20  }
0x9e: {  	_ =	swait.ge [sflag:s22], s20  }
0x9f: {  	s4 =	ssub.s32 $0x0, s20;
	[sflag:s22] =	ssyncset.done $0x0  }
0xa0: {  	[sflag:s22] =	ssyncadd.s32 s4;
	_ =	sdelay $0x1  }
0xa1: {  	s23 =	simm.s32 $0x1B8B  }
0xa2: {  	_ =	swait.ge [sflag:s23], $0x1  }
0xa3: {  	[sflag:s23] =	ssyncset.done $0x0  }
0xa4: {  	s25 =	simm.s32 $0x1B8E;
	s24 =	sld [smem:$0x3FFE];
	[sflag:s23] =	ssyncadd.s32 $0xFFFFFFFF  }
0xa5: {  	s26 =	simm.s32 $execute0_lowered;
	[smem:$0x3FD2] =	sst s25  }
0xa6: {  	s5 =	sshll.u32 s26, $0x1;
	_ =	strace $0x80000046;
	[dreg:$0x1] =	wrdreg $0xFFFFFFFF  }
0xa7: {  	s28 =	simm.s32 $_size_execute0_lowered;
	s3 =	sadd.s32 s3, s5;
	[dreg:$0x0] =	wrdreg $0x0  }
0xa8: {  	s5 =	sshll.u32 s28, $0x1;
	[dreg:$0x2] =	wrdreg s3  }
0xa9: {  	[dreg:$0x3] =	wrdreg s5  }
0xaa: {  	[dreg:$0x4] =	wrdreg $0xC0  }
0xab: {  	_ =	task [dreg:s7], $0x5FFFF  }
0xac: {  	[dreg:$0x1] =	wrdreg $0xFFFFFFFF  }
0xad: {  	[dreg:$0x0] =	wrdreg $0x60  }
0xae: {  	[dreg:$0x2] =	wrdreg s2  }
0xaf: {  	[dreg:$0x3] =	wrdreg s24  }
0xb0: {  	[dreg:$0x4] =	wrdreg $0x0  }
0xb1: {  	[dreg:$0x5] =	wrdreg $0x9  }
0xb2: {  	_ =	task.clear_ibuf [dreg:s7], $0x6FFFF;
	_ =	strace $0x90000046  }
0xb3: {  	s29 =	simm.s32 $0x9;
	_ =	strace $0x80000048  }
0xb4: {  	_ =	swait.ge [sflag:s29], $0x1  }
0xb5: {  	[sflag:s29] =	ssyncadd.s32 $0xFFFFFFFF  }
0xb6: {  	_ =	strace $0x90000048  }
0xb7: {  	_ =	sfence  }
0xb8: {  	s30 =	sld [smem:$0x0];
	_ =	sdelay $0x2  }
0xb9: {  	s31 =	sshll.u32 s1, $0xD;
	s1 =	sshrl.u32 s1, $0x2  }
0xba: {  	s3 =	sand.u32 $0x4000, s31;
	s1 =	sadd.s32 s1, s30  }
0xbb: {  	s0 =	sor.u32 s3, s0;
	s1 =	sshll.u32 s1, $0x11  }
0xbc: {  	s0 =	sor.u32 s1, s0  }
0xbd: {  	s0 =	sadd.s32 $0x8F2B, s0  }
0xbe: {  	[sflag:s0] =	ssyncadd.remote.s32 $0x1  }
0xbf: {  	_ =	sfence.sel $0xFFFF  }
0xc0: {  	[dreg:$0x0] =	wrdreg $0xFFFFFFFF;
	(pc) =	sbr.abs _section_cstart, $3  }
0xc1: {  	[dreg:$0x1] =	wrdreg $0xFFFFFFFF  }
0xc2: {  	_ =	task.clear_ibuf [dreg:s7], $0x2FFFF;
	_ =	strace $0x9FFFFFFF  }
0xc3: {  	(tm) =	ssettm $0x7FFFFFFF  }
tec
execute0_lowered:
.L_overlay_start_1:
0x0: {  	(tag) =	ssettag $0x1  }
0x1: {  	s0 =	rddreg [dreg:$0x0]  }
0x2: {  	s4 =	rddreg [dreg:$0x1];
	s1 =	srdreg.scid  }
0x3: {  	s5 =	stileid.u32;
	s2 =	rddreg [dreg:$0x2];
	s3 =	simm.s32 $0x0  }
0x4: {  	s9 =	simm.s32 $0x80;
	s10 =	simm.s32 $0x7418;
	s11 =	simm.s32 $0x1098  }
0x5: {  	s12 =	simm.s32 $0xB418;
	s13 =	simm.s32 $0x1118;
	s14 =	simm.s32 $0xF418  }
0x6: {  	s15 =	simm.s32 $0x1198;
	s16 =	simm.s32 $0x13418;
	s17 =	simm.s32 $0x1  }
0x7: {  	s18 =	simm.s32 $0x2;
	s19 =	simm.s32 $0x3;
	s20 =	simm.s32 $0x4  }
0x8: {  	s21 =	simm.s32 $0x0;
	s6 =	sand.u32 $0x1, s1;
	s7 =	sshll.u32 s5, $0x1  }
0x9: {  	s1 =	rddreg [dreg:$0x3];
	s7 =	sor.u32 s6, s7;
	s6 =	ssub.s32 $0x2, s6  }
0xa: {  	[smem:$0x7FF] =	sst s3;
	s7 =	smul.u32 $0xC80, s7;
	s8 =	sshrl.u32 s6, $0x1  }
0xb: {  	p0 =	sne.s32 s5, $0x0;
	_ =	strace $0x80000047;
	s6 =	ssub.s32 s6, s8  }
0xc: {  	s8 =	simm.s32 $0x5;
	s4 =	sadd.s32 s7, s4;
	s5 =	smax.u32 s6, $0x1  }
0xd: {  	s6 =	sshrl.u32 @!p0 s2, $0x3;
	s7 =	simm.s32 $0x1018;
	s4 =	sadd.s32 $0x400, s4  }
.LBB2_1:
0xe: {  	s22 =	simm.s32 @!p0 $0x1C05  }
0xf: {  	[spmem:s6], [sflag:s22] =	dma.local @!p0 [hbm:s0], $0x2030  }
0x10: {  	s22 =	simm.s32 @!p0 $0x5  }
0x11: {  	_ =	swait.ge @!p0 [sflag:s22], $0x2030  }
0x12: {  	[sflag:s22] =	ssyncset.done @!p0 $0x0  }
0x13: {  	[sflag:s22] =	ssyncadd.s32 @!p0 $0xFFFFDFD0  }
0x14: {  	[tilespmem:s7], [sflag:$0x5] =	stream.linear.gather [hbm4b:s4+s3], $0x6400, $0x38;
	[tilespmem:$0x17418] =	vst v63  }
0x15: {  	_ =	swait.ge [sflag:s8], $0x6400  }
0x16: {  	[sflag:s8] =	ssyncset.done $0x0  }
0x17: {  	[sflag:s8] =	ssyncadd.s32 $0xFFFF9C00  }
0x18: {  	[bflag:$0x0] =	sbarrier.arrive $0xFFFF  }
0x19: {  	[tilespmem:s10], [sflag:$0x1] =	stream.indirect.gather [spmem:s2], $0x80, s7, s9, $0xb8;
	[tilespmem:$0x17418] =	vst v63  }
0x1a: {  	_ = 	snop  }
0x1b: {  	[tilespmem:s12], [sflag:$0x2] =	stream.indirect.gather [spmem:s2], $0x80, s11, s9, $0xb8;
	[tilespmem:$0x17418] =	vst v63  }
0x1c: {  	_ = 	snop  }
0x1d: {  	[tilespmem:s14], [sflag:$0x3] =	stream.indirect.gather [spmem:s2], $0x80, s13, s9, $0xb8;
	[tilespmem:$0x17418] =	vst v63  }
0x1e: {  	_ = 	snop  }
0x1f: {  	[tilespmem:s16], [sflag:$0x4] =	stream.indirect.gather [spmem:s2], $0x80, s15, s9, $0xb8;
	[tilespmem:$0x17418] =	vst v63  }
0x20: {  	_ =	swait.ge [sflag:s17], $0x4000  }
0x21: {  	[sflag:s17] =	ssyncset.done $0x0  }
0x22: {  	s29 =	simm.s32 $0x1218;
	[sflag:s17] =	ssyncadd.s32 $0xFFFFC000  }
0x23: {  	[tilespmem:s10], [sflag:$0x1] =	stream.indirect.gather [spmem:s2], $0x80, s29, s9, $0xb8;
	[tilespmem:$0x17418] =	vst v63  }
0x24: {  	_ =	swait.ge [sflag:s18], $0x4000  }
0x25: {  	[sflag:s18] =	ssyncset.done $0x0  }
0x26: {  	s30 =	simm.s32 $0x1298;
	[sflag:s18] =	ssyncadd.s32 $0xFFFFC000  }
0x27: {  	[tilespmem:s12], [sflag:$0x2] =	stream.indirect.gather [spmem:s2], $0x80, s30, s9, $0xb8;
	[tilespmem:$0x17418] =	vst v63  }
0x28: {  	_ =	swait.ge [sflag:s19], $0x4000  }
0x29: {  	[sflag:s19] =	ssyncset.done $0x0  }
0x2a: {  	s31 =	simm.s32 $0x1318;
	[sflag:s19] =	ssyncadd.s32 $0xFFFFC000  }
0x2b: {  	[tilespmem:s14], [sflag:$0x3] =	stream.indirect.gather [spmem:s2], $0x80, s31, s9, $0xb8;
	[tilespmem:$0x17418] =	vst v63  }
0x2c: {  	_ =	swait.ge [sflag:s20], $0x4000  }
0x2d: {  	[sflag:s20] =	ssyncset.done $0x0  }
0x2e: {  	s23 =	simm.s32 $0x1398;
	s22 =	simm.s32 $0xFFFE8000;
	[sflag:s20] =	ssyncadd.s32 $0xFFFFC000  }
.LBB2_2:
0x2f: {  	[tilespmem:s16], [sflag:$0x4] =	stream.indirect.gather [spmem:s2], $0x80, s23, s9, $0xb8;
	[tilespmem:$0x17418] =	vst v63  }
0x30: {  	s23 =	smov.u32 s22  }
0x31: {  	p1 =	sne.s32 s22, $0xFFFFF800;
	s22 =	sadd.s32 $0x800, s22;
	_ =	swait.ge [sflag:s17], $0x4000  }
0x32: {  	s23 =	sshra.s32 s23, $0x2;
	[sflag:s17] =	ssyncset.done $0x0  }
0x33: {  	s24 =	sadd.s32 $0x7418, s23;
	[sflag:s17] =	ssyncadd.s32 $0xFFFFC000  }
0x34: {  	[tilespmem:s10], [sflag:$0x1] =	stream.indirect.gather [spmem:s2], $0x80, s24, s9, $0xb8;
	[tilespmem:$0x17418] =	vst v63  }
0x35: {  	_ =	swait.ge [sflag:s18], $0x4000  }
0x36: {  	[sflag:s18] =	ssyncset.done $0x0  }
0x37: {  	s24 =	sadd.s32 $0x7498, s23;
	[sflag:s18] =	ssyncadd.s32 $0xFFFFC000  }
0x38: {  	[tilespmem:s12], [sflag:$0x2] =	stream.indirect.gather [spmem:s2], $0x80, s24, s9, $0xb8;
	[tilespmem:$0x17418] =	vst v63  }
0x39: {  	_ =	swait.ge [sflag:s19], $0x4000  }
0x3a: {  	[sflag:s19] =	ssyncset.done $0x0  }
.Ltmp0:
0x3b: {  	s24 =	sadd.s32 $0x7518, s23;
	[sflag:s19] =	ssyncadd.s32 $0xFFFFC000;
	(pc) =	sbr.rel @p1 .LBB2_2-.Ltmp0, $4  }
0x3c: {  	[tilespmem:s14], [sflag:$0x3] =	stream.indirect.gather [spmem:s2], $0x80, s24, s9, $0xb8;
	[tilespmem:$0x17418] =	vst v63  }
0x3d: {  	_ =	swait.ge [sflag:s20], $0x4000  }
0x3e: {  	[sflag:s20] =	ssyncset.done $0x0  }
0x3f: {  	s23 =	sadd.s32 $0x7598, s23;
	[sflag:s20] =	ssyncadd.s32 $0xFFFFC000  }
0x40: {  	[tilespmem:s16], [sflag:$0x4] =	stream.indirect.gather [spmem:s2], $0x80, s23, s9, $0xb8;
	[tilespmem:$0x17418] =	vst v63  }
0x41: {  	_ =	swait.ge [sflag:s17], $0x4000  }
0x42: {  	[sflag:s17] =	ssyncset.done $0x0  }
0x43: {  	[sflag:s17] =	ssyncadd.s32 $0xFFFFC000  }
0x44: {  	_ =	swait.ge [sflag:s18], $0x4000  }
0x45: {  	[sflag:s18] =	ssyncset.done $0x0  }
0x46: {  	s21 =	sadd.s32 $0x1, s21;
	[sflag:s18] =	ssyncadd.s32 $0xFFFFC000  }
0x47: {  	p1 =	sne.s32 s21, s5;
	_ =	swait.ge [sflag:s19], $0x4000  }
.Ltmp1:
0x48: {  	[sflag:s19] =	ssyncset.done $0x0;
	(pc) =	sbr.rel @p1 .LBB2_1-.Ltmp1, $4  }
0x49: {  	[sflag:s19] =	ssyncadd.s32 $0xFFFFC000  }
0x4a: {  	_ =	swait.ge [sflag:s20], $0x4000  }
0x4b: {  	[sflag:s20] =	ssyncset.done $0x0  }
0x4c: {  	[sflag:s20] =	ssyncadd.s32 $0xFFFFC000  }
0x4d: {  	_ =	sfence.sel $0x180000  }
0x4e: {  	[bflag:$0x0] =	sbarrier.arrive $0xFFFF  }
0x4f: {  	_ =	strace $0x90000047  }
0x50: {  	s0 =	sadd.s32 @!p0 $0x100000, s1;
	[bflag:$0x2] =	sbarrier.arrive $0xFFFF  }
0x51: {  	[sflag:s0] =	ssyncadd.tile.s32 @!p0 $0x1;
	_ =	shalt  }
.Lfunc_end2:
_tile_overlayer_lowered:
.L_overlay_start_2:
0x52: {  	(tag) =	ssettag $0x2  }
0x53: {  	s0 =	rddreg [dreg:$0x0];
	s2 =	stileid.u32  }
0x54: {  	s1 =	rddreg [dreg:$0x1];
	p0 =	sne.s32 s2, $0x0  }
0x55: {  	s3 =	rddreg [dreg:$0x2];
	[bflag:$0x3] =	sbarrier.arrive $0xFFFF;
	s2 =	simm.s32 @!p0 $0x1C05  }
0x56: {  	[timem:s3], [sflag:s2] =	dma.local @!p0 [hbm:s0], s1  }
0x57: {  	s0 =	simm.s32 @!p0 $0x5  }
0x58: {  	_ =	swait.ge @!p0 [sflag:s0], s1  }
0x59: {  	s1 =	ssub.s32 @!p0 $0x0, s1;
	[sflag:s0] =	ssyncset.done @!p0 $0x0  }
0x5a: {  	[sflag:s0] =	ssyncadd.s32 @!p0 s1  }
0x5b: {  	[bflag:$0x3] =	sbarrier.arrive $0xFFFF  }
0x5c: {  	_ =	shalt  }

</sc_bundles>
